<compile_context>
chip_gen: v7x
topology: tpu7x:2x2x1
jax: 0.10.2.dev20260603
libtpu: 0.0.44.dev20260713+nightly
codegen_flags: <defaults>
</compile_context>

<pallas_src>
import functools

import jax
import jax.numpy as jnp
from jax import lax
from jax.experimental import pallas as pl
from jax.experimental.pallas import tpu as pltpu
from jax.experimental.pallas import tpu_sc as plsc

D_MODEL = 1024
N_ROWS = 4 * 8192
CHUNK = 16
NBUF = 4


def _make_gather():
    info = plsc.get_sparse_core_info()
    nc, ns = info.num_cores, info.num_subcores
    nw = nc * ns
    rows_per_w = N_ROWS // nw
    n_chunks = rows_per_w // CHUNK

    mesh = plsc.VectorSubcoreMesh(core_axis_name="c", subcore_axis_name="s")

    @functools.partial(
        pl.kernel,
        mesh=mesh,
        out_type=jax.ShapeDtypeStruct((N_ROWS, D_MODEL), jnp.float32),
        scratch_types=[
            pltpu.VMEM((n_chunks, CHUNK), jnp.int32),
            *([pltpu.VMEM((CHUNK, D_MODEL), jnp.float32)] * NBUF),
            *([pltpu.SemaphoreType.DMA] * NBUF),
            *([pltpu.SemaphoreType.DMA] * NBUF),
        ],
    )
    def gather_kernel(idx_hbm, table_hbm, out_hbm, idx_v, *scratch):
        bufs = scratch[:NBUF]
        gsems = scratch[NBUF:2 * NBUF]
        wsems = scratch[2 * NBUF:]

        wid = lax.axis_index("s") * nc + lax.axis_index("c")
        base = wid * rows_per_w

        pltpu.sync_copy(idx_hbm.at[wid], idx_v)

        def gather(c, b):
            pltpu.async_copy(table_hbm.at[idx_v.at[c]], bufs[b], gsems[b])

        def write(c, b):
            pltpu.async_copy(
                bufs[b], out_hbm.at[pl.ds(base + c * CHUNK, CHUNK)], wsems[b])

        gather(0, 0)
        gather(1, 1)

        def step(c, b):
            b2 = (b + 2) % NBUF

            @pl.when(c + 2 < n_chunks)
            def _():
                @pl.when(c >= 2)
                def _():
                    pltpu.make_async_copy(
                        bufs[b2],
                        out_hbm.at[pl.ds(base + (c - 2) * CHUNK, CHUNK)],
                        wsems[b2]).wait()
                gather(c + 2, b2)

            pltpu.make_async_copy(
                table_hbm.at[idx_v.at[c]], bufs[b], gsems[b]).wait()
            write(c, b)

        def body(i, _):
            c = NBUF * i
            for b in range(NBUF):
                step(c + b, b)
            return 0

        lax.fori_loop(0, n_chunks // NBUF, body, 0)

        for b in range(NBUF):
            c = n_chunks - NBUF + b
            pltpu.make_async_copy(
                bufs[b], out_hbm.at[pl.ds(base + c * CHUNK, CHUNK)],
                wsems[b]).wait()

    return gather_kernel


_gather = _make_gather()


@jax.jit
def kernel(token_positions, pe):
    b, t = token_positions.shape
    info = plsc.get_sparse_core_info()
    nw = info.num_cores * info.num_subcores
    rows_per_w = N_ROWS // nw
    idx = token_positions.astype(jnp.int32).reshape(nw, rows_per_w // CHUNK,
                                                    CHUNK)
    out = _gather(idx, pe)
    return out.reshape(b, t, D_MODEL)

# --- scband reference (transcript-rebuilt; emitter-appended) ---
"""Pipeline reference for scband-sinusoidal-positional-encoding-8727373545562 (READ-ONLY COPY).

The authoritative reference and input builder live on the scoring server;
editing this copy changes nothing except your own understanding.
"""

import jax, jax.numpy as jnp
import numpy as np
import math

D_MODEL = 1024
MAX_SEQ_LEN = 32768

def _build_pe(max_seq_len, d_model):
    positions = jnp.arange(max_seq_len, dtype=jnp.float32)[:, None]
    i = jnp.arange(0, d_model, 2, dtype=jnp.float32)
    div_term = jnp.exp(-math.log(10000.0) * i / d_model)
    pe = jnp.zeros((max_seq_len, d_model), dtype=jnp.float32)
    pe = pe.at[:, 0::2].set(jnp.sin(positions * div_term))
    pe = pe.at[:, 1::2].set(jnp.cos(positions * div_term))
    return pe

def setup_inputs(seed: int = 0) -> dict:
    key = jax.random.key(seed)
    token_positions = jax.random.randint(key, (4, 8192), 0, MAX_SEQ_LEN, dtype=jnp.int64 if jax.config.jax_enable_x64 else jnp.int32)
    pe = _build_pe(MAX_SEQ_LEN, D_MODEL)
    return {"token_positions": token_positions, "pe": pe}

def reference(token_positions, pe):
    # Faithful translation of SinusoidalPositionalEncoding.forward: pe[token_positions]
    return jnp.take(pe, token_positions, axis=0)

if __name__ == "__main__":
    import jax
    _d = setup_inputs()
    print(jax.jit(kernel)(*tuple(_d.values())))

</pallas_src>

<mosaic_0001>
#map = affine_map<(d0, d1) -> (0, 0, 0)>
#map1 = affine_map<(d0, d1) -> (0, 0)>
module attributes {stable_mosaic.version = 14 : i64} {
  func.func @gather_kernel(%arg0: i32, %arg1: i32, %arg2: memref<32x64x16xi32, #tpu.memory_space<hbm>>, %arg3: memref<32768x1024xf32, #tpu.memory_space<hbm>>, %arg4: memref<32768x1024xf32, #tpu.memory_space<hbm>>, %arg5: memref<64x16xi32, #tpu.memory_space<vmem>>, %arg6: memref<16x1024xf32, #tpu.memory_space<vmem>>, %arg7: memref<16x1024xf32, #tpu.memory_space<vmem>>, %arg8: memref<16x1024xf32, #tpu.memory_space<vmem>>, %arg9: memref<16x1024xf32, #tpu.memory_space<vmem>>, %arg10: memref<!tpu.dma_semaphore, #tpu.memory_space<semaphore_mem>>, %arg11: memref<!tpu.dma_semaphore, #tpu.memory_space<semaphore_mem>>, %arg12: memref<!tpu.dma_semaphore, #tpu.memory_space<semaphore_mem>>, %arg13: memref<!tpu.dma_semaphore, #tpu.memory_space<semaphore_mem>>, %arg14: memref<!tpu.dma_semaphore, #tpu.memory_space<semaphore_mem>>, %arg15: memref<!tpu.dma_semaphore, #tpu.memory_space<semaphore_mem>>, %arg16: memref<!tpu.dma_semaphore, #tpu.memory_space<semaphore_mem>>, %arg17: memref<!tpu.dma_semaphore, #tpu.memory_space<semaphore_mem>>) attributes {dimension_semantics = [#tpu.dimension_semantics<core_parallel>, #tpu.dimension_semantics<subcore_parallel>], iteration_bounds = array<i64: 2, 16>, scalar_prefetch = 0 : i64, scratch_operands = 13 : i64, tpu.core_type = #tpu.core_type<sc_vector_subcore>, window_params = [{transform_indices = #map}, {transform_indices = #map1}, {transform_indices = #map1}]} {
    %mul3A = arith.constant 2 : i32
    %mul3A_0 = arith.muli %arg1, %mul3A : i32
    %add3A = arith.addi %mul3A_0, %arg0 : i32
    %mul3A_1 = arith.constant 1024 : i32
    %mul3A_2 = arith.muli %add3A, %mul3A_1 : i32
    "tpu.region"() ({
      %run_scoped3A = tpu.sem_alloc : memref<!tpu.dma_semaphore, #tpu.memory_space<semaphore_mem>>
      %dma_start3A_45 = arith.constant 0 : i32
      %dma_start3A_46 = arith.constant 0 : i32
      %dma_start3A_47 = tpu.memref_slice %arg2[%add3A, %dma_start3A_45, %dma_start3A_46] : memref<32x64x16xi32, #tpu.memory_space<hbm>> -> memref<1x64x16xi32, #tpu.memory_space<hbm>>
      %dma_start3A_48 = tpu.memref_squeeze %dma_start3A_47 : memref<1x64x16xi32, #tpu.memory_space<hbm>> -> memref<64x16xi32, #tpu.memory_space<hbm>>
      %dma_start3A_49 = arith.constant 0 : i32
      %dma_start3A_50 = arith.constant 0 : i32
      %dma_start3A_51 = tpu.memref_slice %arg2[%add3A, %dma_start3A_49, %dma_start3A_50] : memref<32x64x16xi32, #tpu.memory_space<hbm>> -> memref<1x64x16xi32, #tpu.memory_space<hbm>>
      %dma_start3A_52 = tpu.memref_squeeze %dma_start3A_51 : memref<1x64x16xi32, #tpu.memory_space<hbm>> -> memref<64x16xi32, #tpu.memory_space<hbm>>
      tpu.enqueue_dma source(%dma_start3A_52 : memref<64x16xi32, #tpu.memory_space<hbm>>) target(%arg5 : memref<64x16xi32, #tpu.memory_space<vmem>>) target_semaphore(%run_scoped3A : memref<!tpu.dma_semaphore, #tpu.memory_space<semaphore_mem>>)
      %dma_wait3A_53 = arith.constant 0 : i32
      %dma_wait3A_54 = arith.constant 0 : i32
      %dma_wait3A_55 = tpu.memref_slice %arg2[%add3A, %dma_wait3A_53, %dma_wait3A_54] : memref<32x64x16xi32, #tpu.memory_space<hbm>> -> memref<1x64x16xi32, #tpu.memory_space<hbm>>
      %dma_wait3A_56 = tpu.memref_squeeze %dma_wait3A_55 : memref<1x64x16xi32, #tpu.memory_space<hbm>> -> memref<64x16xi32, #tpu.memory_space<hbm>>
      %dma_wait3A_57 = arith.constant 0 : i32
      %dma_wait3A_58 = arith.constant 0 : i32
      %dma_wait3A_59 = tpu.memref_slice %arg2[%add3A, %dma_wait3A_57, %dma_wait3A_58] : memref<32x64x16xi32, #tpu.memory_space<hbm>> -> memref<1x64x16xi32, #tpu.memory_space<hbm>>
      %dma_wait3A_60 = tpu.memref_squeeze %dma_wait3A_59 : memref<1x64x16xi32, #tpu.memory_space<hbm>> -> memref<64x16xi32, #tpu.memory_space<hbm>>
      tpu.wait_dma2 semaphore(%run_scoped3A : memref<!tpu.dma_semaphore, #tpu.memory_space<semaphore_mem>>) src(%dma_wait3A_60 : memref<64x16xi32, #tpu.memory_space<hbm>>) dst(%arg5 : memref<64x16xi32, #tpu.memory_space<vmem>>)
      tpu.yield
    }) : () -> ()
    %dma_start3A = arith.constant 0 : i32
    %dma_start3A_3 = arith.constant 0 : i32
    %dma_start3A_4 = tpu.memref_slice %arg5[%dma_start3A, %dma_start3A_3] : memref<64x16xi32, #tpu.memory_space<vmem>> -> memref<1x16xi32, #tpu.memory_space<vmem>>
    %dma_start3A_5 = tpu.memref_squeeze %dma_start3A_4 : memref<1x16xi32, #tpu.memory_space<vmem>> -> memref<16xi32, #tpu.memory_space<vmem>>
    %dma_start3A_6 = arith.constant 0 : i32
    %dma_start3A_7 = arith.constant 0 : i32
    %dma_start3A_8 = tpu.memref_slice %arg3[%dma_start3A_6, %dma_start3A_7] : memref<32768x1024xf32, #tpu.memory_space<hbm>> -> memref<32768x1024xf32, #tpu.memory_space<hbm>>
    tpu.enqueue_indirect_dma source(%dma_start3A_8 : memref<32768x1024xf32, #tpu.memory_space<hbm>>) target(%arg6 : memref<16x1024xf32, #tpu.memory_space<vmem>>) offsets(%dma_start3A_5 : memref<16xi32, #tpu.memory_space<vmem>>) semaphore(%arg10 : memref<!tpu.dma_semaphore, #tpu.memory_space<semaphore_mem>>)
    %dma_start3A_9 = arith.constant 1 : i32
    %dma_start3A_10 = arith.constant 0 : i32
    %dma_start3A_11 = tpu.memref_slice %arg5[%dma_start3A_9, %dma_start3A_10] : memref<64x16xi32, #tpu.memory_space<vmem>> -> memref<1x16xi32, #tpu.memory_space<vmem>>
    %dma_start3A_12 = tpu.memref_squeeze %dma_start3A_11 : memref<1x16xi32, #tpu.memory_space<vmem>> -> memref<16xi32, #tpu.memory_space<vmem>>
    %dma_start3A_13 = arith.constant 0 : i32
    %dma_start3A_14 = arith.constant 0 : i32
    %dma_start3A_15 = tpu.memref_slice %arg3[%dma_start3A_13, %dma_start3A_14] : memref<32768x1024xf32, #tpu.memory_space<hbm>> -> memref<32768x1024xf32, #tpu.memory_space<hbm>>
    tpu.enqueue_indirect_dma source(%dma_start3A_15 : memref<32768x1024xf32, #tpu.memory_space<hbm>>) target(%arg7 : memref<16x1024xf32, #tpu.memory_space<vmem>>) offsets(%dma_start3A_12 : memref<16xi32, #tpu.memory_space<vmem>>) semaphore(%arg11 : memref<!tpu.dma_semaphore, #tpu.memory_space<semaphore_mem>>)
    %scan3A = arith.constant 0 : i32
    %scan3A_16 = arith.constant 0 : i32
    %scan3A_17 = arith.constant 16 : i32
    %scan3A_18 = arith.addi %scan3A_16, %scan3A_17 : i32
    %scan3A_19 = arith.constant 1 : i32
    %scan3A_20 = scf.for %scan3A_45 = %scan3A_16 to %scan3A_18 step %scan3A_19 iter_args(%scan3A_46 = %scan3A) -> (i32)  : i32 {
      %mul3A_47 = arith.constant 4 : i32
      %mul3A_48 = arith.muli %mul3A_47, %scan3A_45 : i32
      %add3A_49 = arith.constant 0 : i32
      %add3A_50 = arith.addi %mul3A_48, %add3A_49 : i32
      %add3A_51 = arith.constant 2 : i32
      %add3A_52 = arith.addi %add3A_50, %add3A_51 : i32
      %lt3A = arith.constant 64 : i32
      %lt3A_53 = arith.cmpi slt, %add3A_52, %lt3A : i32
      %convert_element_type3A = arith.extui %lt3A_53 : i1 to i32
      %cond3A = arith.constant 0 : i32
      %cond3A_54 = arith.cmpi ne, %convert_element_type3A, %cond3A : i32
      scf.if %cond3A_54 {
        %ge3A = arith.constant 2 : i32
        %ge3A_135 = arith.cmpi sge, %add3A_50, %ge3A : i32
        %convert_element_type3A_136 = arith.extui %ge3A_135 : i1 to i32
        %cond3A_137 = arith.constant 0 : i32
        %cond3A_138 = arith.cmpi ne, %convert_element_type3A_136, %cond3A_137 : i32
        scf.if %cond3A_138 {
          %sub3A = arith.constant 2 : i32
          %sub3A_147 = arith.subi %add3A_50, %sub3A : i32
          %mul3A_148 = arith.constant 16 : i32
          %mul3A_149 = arith.muli %sub3A_147, %mul3A_148 : i32
          %add3A_150 = arith.addi %mul3A_2, %mul3A_149 : i32
          %dma_wait3A_151 = arith.constant 0 : i32
          %dma_wait3A_152 = tpu.memref_slice %arg4[%add3A_150, %dma_wait3A_151] : memref<32768x1024xf32, #tpu.memory_space<hbm>> -> memref<16x1024xf32, #tpu.memory_space<hbm>>
          %dma_wait3A_153 = arith.constant 0 : i32
          %dma_wait3A_154 = tpu.memref_slice %arg4[%add3A_150, %dma_wait3A_153] : memref<32768x1024xf32, #tpu.memory_space<hbm>> -> memref<16x1024xf32, #tpu.memory_space<hbm>>
          tpu.wait_dma2 semaphore(%arg16 : memref<!tpu.dma_semaphore, #tpu.memory_space<semaphore_mem>>) src(%arg8 : memref<16x1024xf32, #tpu.memory_space<vmem>>) dst(%dma_wait3A_154 : memref<16x1024xf32, #tpu.memory_space<hbm>>)
        } else {
        }
        %add3A_139 = arith.constant 2 : i32
        %add3A_140 = arith.addi %add3A_50, %add3A_139 : i32
        %dma_start3A_141 = arith.constant 0 : i32
        %dma_start3A_142 = tpu.memref_slice %arg5[%add3A_140, %dma_start3A_141] : memref<64x16xi32, #tpu.memory_space<vmem>> -> memref<1x16xi32, #tpu.memory_space<vmem>>
        %dma_start3A_143 = tpu.memref_squeeze %dma_start3A_142 : memref<1x16xi32, #tpu.memory_space<vmem>> -> memref<16xi32, #tpu.memory_space<vmem>>
        %dma_start3A_144 = arith.constant 0 : i32
        %dma_start3A_145 = arith.constant 0 : i32
        %dma_start3A_146 = tpu.memref_slice %arg3[%dma_start3A_144, %dma_start3A_145] : memref<32768x1024xf32, #tpu.memory_space<hbm>> -> memref<32768x1024xf32, #tpu.memory_space<hbm>>
        tpu.enqueue_indirect_dma source(%dma_start3A_146 : memref<32768x1024xf32, #tpu.memory_space<hbm>>) target(%arg8 : memref<16x1024xf32, #tpu.memory_space<vmem>>) offsets(%dma_start3A_143 : memref<16xi32, #tpu.memory_space<vmem>>) semaphore(%arg12 : memref<!tpu.dma_semaphore, #tpu.memory_space<semaphore_mem>>)
      } else {
      }
      %dma_wait3A_55 = arith.constant 0 : i32
      %dma_wait3A_56 = tpu.memref_slice %arg5[%add3A_50, %dma_wait3A_55] : memref<64x16xi32, #tpu.memory_space<vmem>> -> memref<1x16xi32, #tpu.memory_space<vmem>>
      %dma_wait3A_57 = tpu.memref_squeeze %dma_wait3A_56 : memref<1x16xi32, #tpu.memory_space<vmem>> -> memref<16xi32, #tpu.memory_space<vmem>>
      %dma_wait3A_58 = arith.constant 0 : i32
      %dma_wait3A_59 = arith.constant 0 : i32
      %dma_wait3A_60 = tpu.memref_slice %arg3[%dma_wait3A_58, %dma_wait3A_59] : memref<32768x1024xf32, #tpu.memory_space<hbm>> -> memref<32768x1024xf32, #tpu.memory_space<hbm>>
      tpu.wait_indirect_dma semaphore(%arg10 : memref<!tpu.dma_semaphore, #tpu.memory_space<semaphore_mem>>) src(%dma_wait3A_60 : memref<32768x1024xf32, #tpu.memory_space<hbm>>) dst(%arg6 : memref<16x1024xf32, #tpu.memory_space<vmem>>)
      %mul3A_61 = arith.constant 16 : i32
      %mul3A_62 = arith.muli %add3A_50, %mul3A_61 : i32
      %add3A_63 = arith.addi %mul3A_2, %mul3A_62 : i32
      %dma_start3A_64 = arith.constant 0 : i32
      %dma_start3A_65 = tpu.memref_slice %arg4[%add3A_63, %dma_start3A_64] : memref<32768x1024xf32, #tpu.memory_space<hbm>> -> memref<16x1024xf32, #tpu.memory_space<hbm>>
      %dma_start3A_66 = arith.constant 0 : i32
      %dma_start3A_67 = tpu.memref_slice %arg4[%add3A_63, %dma_start3A_66] : memref<32768x1024xf32, #tpu.memory_space<hbm>> -> memref<16x1024xf32, #tpu.memory_space<hbm>>
      tpu.enqueue_dma source(%arg6 : memref<16x1024xf32, #tpu.memory_space<vmem>>) target(%dma_start3A_67 : memref<16x1024xf32, #tpu.memory_space<hbm>>) target_semaphore(%arg14 : memref<!tpu.dma_semaphore, #tpu.memory_space<semaphore_mem>>)
      %add3A_68 = arith.constant 1 : i32
      %add3A_69 = arith.addi %mul3A_48, %add3A_68 : i32
      %add3A_70 = arith.constant 2 : i32
      %add3A_71 = arith.addi %add3A_69, %add3A_70 : i32
      %lt3A_72 = arith.constant 64 : i32
      %lt3A_73 = arith.cmpi slt, %add3A_71, %lt3A_72 : i32
      %convert_element_type3A_74 = arith.extui %lt3A_73 : i1 to i32
      %cond3A_75 = arith.constant 0 : i32
      %cond3A_76 = arith.cmpi ne, %convert_element_type3A_74, %cond3A_75 : i32
      scf.if %cond3A_76 {
        %ge3A = arith.constant 2 : i32
        %ge3A_135 = arith.cmpi sge, %add3A_69, %ge3A : i32
        %convert_element_type3A_136 = arith.extui %ge3A_135 : i1 to i32
        %cond3A_137 = arith.constant 0 : i32
        %cond3A_138 = arith.cmpi ne, %convert_element_type3A_136, %cond3A_137 : i32
        scf.if %cond3A_138 {
          %sub3A = arith.constant 2 : i32
          %sub3A_147 = arith.subi %add3A_69, %sub3A : i32
          %mul3A_148 = arith.constant 16 : i32
          %mul3A_149 = arith.muli %sub3A_147, %mul3A_148 : i32
          %add3A_150 = arith.addi %mul3A_2, %mul3A_149 : i32
          %dma_wait3A_151 = arith.constant 0 : i32
          %dma_wait3A_152 = tpu.memref_slice %arg4[%add3A_150, %dma_wait3A_151] : memref<32768x1024xf32, #tpu.memory_space<hbm>> -> memref<16x1024xf32, #tpu.memory_space<hbm>>
          %dma_wait3A_153 = arith.constant 0 : i32
          %dma_wait3A_154 = tpu.memref_slice %arg4[%add3A_150, %dma_wait3A_153] : memref<32768x1024xf32, #tpu.memory_space<hbm>> -> memref<16x1024xf32, #tpu.memory_space<hbm>>
          tpu.wait_dma2 semaphore(%arg17 : memref<!tpu.dma_semaphore, #tpu.memory_space<semaphore_mem>>) src(%arg9 : memref<16x1024xf32, #tpu.memory_space<vmem>>) dst(%dma_wait3A_154 : memref<16x1024xf32, #tpu.memory_space<hbm>>)
        } else {
        }
        %add3A_139 = arith.constant 2 : i32
        %add3A_140 = arith.addi %add3A_69, %add3A_139 : i32
        %dma_start3A_141 = arith.constant 0 : i32
        %dma_start3A_142 = tpu.memref_slice %arg5[%add3A_140, %dma_start3A_141] : memref<64x16xi32, #tpu.memory_space<vmem>> -> memref<1x16xi32, #tpu.memory_space<vmem>>
        %dma_start3A_143 = tpu.memref_squeeze %dma_start3A_142 : memref<1x16xi32, #tpu.memory_space<vmem>> -> memref<16xi32, #tpu.memory_space<vmem>>
        %dma_start3A_144 = arith.constant 0 : i32
        %dma_start3A_145 = arith.constant 0 : i32
        %dma_start3A_146 = tpu.memref_slice %arg3[%dma_start3A_144, %dma_start3A_145] : memref<32768x1024xf32, #tpu.memory_space<hbm>> -> memref<32768x1024xf32, #tpu.memory_space<hbm>>
        tpu.enqueue_indirect_dma source(%dma_start3A_146 : memref<32768x1024xf32, #tpu.memory_space<hbm>>) target(%arg9 : memref<16x1024xf32, #tpu.memory_space<vmem>>) offsets(%dma_start3A_143 : memref<16xi32, #tpu.memory_space<vmem>>) semaphore(%arg13 : memref<!tpu.dma_semaphore, #tpu.memory_space<semaphore_mem>>)
      } else {
      }
      %dma_wait3A_77 = arith.constant 0 : i32
      %dma_wait3A_78 = tpu.memref_slice %arg5[%add3A_69, %dma_wait3A_77] : memref<64x16xi32, #tpu.memory_space<vmem>> -> memref<1x16xi32, #tpu.memory_space<vmem>>
      %dma_wait3A_79 = tpu.memref_squeeze %dma_wait3A_78 : memref<1x16xi32, #tpu.memory_space<vmem>> -> memref<16xi32, #tpu.memory_space<vmem>>
      %dma_wait3A_80 = arith.constant 0 : i32
      %dma_wait3A_81 = arith.constant 0 : i32
      %dma_wait3A_82 = tpu.memref_slice %arg3[%dma_wait3A_80, %dma_wait3A_81] : memref<32768x1024xf32, #tpu.memory_space<hbm>> -> memref<32768x1024xf32, #tpu.memory_space<hbm>>
      tpu.wait_indirect_dma semaphore(%arg11 : memref<!tpu.dma_semaphore, #tpu.memory_space<semaphore_mem>>) src(%dma_wait3A_82 : memref<32768x1024xf32, #tpu.memory_space<hbm>>) dst(%arg7 : memref<16x1024xf32, #tpu.memory_space<vmem>>)
      %mul3A_83 = arith.constant 16 : i32
      %mul3A_84 = arith.muli %add3A_69, %mul3A_83 : i32
      %add3A_85 = arith.addi %mul3A_2, %mul3A_84 : i32
      %dma_start3A_86 = arith.constant 0 : i32
      %dma_start3A_87 = tpu.memref_slice %arg4[%add3A_85, %dma_start3A_86] : memref<32768x1024xf32, #tpu.memory_space<hbm>> -> memref<16x1024xf32, #tpu.memory_space<hbm>>
      %dma_start3A_88 = arith.constant 0 : i32
      %dma_start3A_89 = tpu.memref_slice %arg4[%add3A_85, %dma_start3A_88] : memref<32768x1024xf32, #tpu.memory_space<hbm>> -> memref<16x1024xf32, #tpu.memory_space<hbm>>
      tpu.enqueue_dma source(%arg7 : memref<16x1024xf32, #tpu.memory_space<vmem>>) target(%dma_start3A_89 : memref<16x1024xf32, #tpu.memory_space<hbm>>) target_semaphore(%arg15 : memref<!tpu.dma_semaphore, #tpu.memory_space<semaphore_mem>>)
      %add3A_90 = arith.constant 2 : i32
      %add3A_91 = arith.addi %mul3A_48, %add3A_90 : i32
      %add3A_92 = arith.constant 2 : i32
      %add3A_93 = arith.addi %add3A_91, %add3A_92 : i32
      %lt3A_94 = arith.constant 64 : i32
      %lt3A_95 = arith.cmpi slt, %add3A_93, %lt3A_94 : i32
      %convert_element_type3A_96 = arith.extui %lt3A_95 : i1 to i32
      %cond3A_97 = arith.constant 0 : i32
      %cond3A_98 = arith.cmpi ne, %convert_element_type3A_96, %cond3A_97 : i32
      scf.if %cond3A_98 {
        %ge3A = arith.constant 2 : i32
        %ge3A_135 = arith.cmpi sge, %add3A_91, %ge3A : i32
        %convert_element_type3A_136 = arith.extui %ge3A_135 : i1 to i32
        %cond3A_137 = arith.constant 0 : i32
        %cond3A_138 = arith.cmpi ne, %convert_element_type3A_136, %cond3A_137 : i32
        scf.if %cond3A_138 {
          %sub3A = arith.constant 2 : i32
          %sub3A_147 = arith.subi %add3A_91, %sub3A : i32
          %mul3A_148 = arith.constant 16 : i32
          %mul3A_149 = arith.muli %sub3A_147, %mul3A_148 : i32
          %add3A_150 = arith.addi %mul3A_2, %mul3A_149 : i32
          %dma_wait3A_151 = arith.constant 0 : i32
          %dma_wait3A_152 = tpu.memref_slice %arg4[%add3A_150, %dma_wait3A_151] : memref<32768x1024xf32, #tpu.memory_space<hbm>> -> memref<16x1024xf32, #tpu.memory_space<hbm>>
          %dma_wait3A_153 = arith.constant 0 : i32
          %dma_wait3A_154 = tpu.memref_slice %arg4[%add3A_150, %dma_wait3A_153] : memref<32768x1024xf32, #tpu.memory_space<hbm>> -> memref<16x1024xf32, #tpu.memory_space<hbm>>
          tpu.wait_dma2 semaphore(%arg14 : memref<!tpu.dma_semaphore, #tpu.memory_space<semaphore_mem>>) src(%arg6 : memref<16x1024xf32, #tpu.memory_space<vmem>>) dst(%dma_wait3A_154 : memref<16x1024xf32, #tpu.memory_space<hbm>>)
        } else {
        }
        %add3A_139 = arith.constant 2 : i32
        %add3A_140 = arith.addi %add3A_91, %add3A_139 : i32
        %dma_start3A_141 = arith.constant 0 : i32
        %dma_start3A_142 = tpu.memref_slice %arg5[%add3A_140, %dma_start3A_141] : memref<64x16xi32, #tpu.memory_space<vmem>> -> memref<1x16xi32, #tpu.memory_space<vmem>>
        %dma_start3A_143 = tpu.memref_squeeze %dma_start3A_142 : memref<1x16xi32, #tpu.memory_space<vmem>> -> memref<16xi32, #tpu.memory_space<vmem>>
        %dma_start3A_144 = arith.constant 0 : i32
        %dma_start3A_145 = arith.constant 0 : i32
        %dma_start3A_146 = tpu.memref_slice %arg3[%dma_start3A_144, %dma_start3A_145] : memref<32768x1024xf32, #tpu.memory_space<hbm>> -> memref<32768x1024xf32, #tpu.memory_space<hbm>>
        tpu.enqueue_indirect_dma source(%dma_start3A_146 : memref<32768x1024xf32, #tpu.memory_space<hbm>>) target(%arg6 : memref<16x1024xf32, #tpu.memory_space<vmem>>) offsets(%dma_start3A_143 : memref<16xi32, #tpu.memory_space<vmem>>) semaphore(%arg10 : memref<!tpu.dma_semaphore, #tpu.memory_space<semaphore_mem>>)
      } else {
      }
      %dma_wait3A_99 = arith.constant 0 : i32
      %dma_wait3A_100 = tpu.memref_slice %arg5[%add3A_91, %dma_wait3A_99] : memref<64x16xi32, #tpu.memory_space<vmem>> -> memref<1x16xi32, #tpu.memory_space<vmem>>
      %dma_wait3A_101 = tpu.memref_squeeze %dma_wait3A_100 : memref<1x16xi32, #tpu.memory_space<vmem>> -> memref<16xi32, #tpu.memory_space<vmem>>
      %dma_wait3A_102 = arith.constant 0 : i32
      %dma_wait3A_103 = arith.constant 0 : i32
      %dma_wait3A_104 = tpu.memref_slice %arg3[%dma_wait3A_102, %dma_wait3A_103] : memref<32768x1024xf32, #tpu.memory_space<hbm>> -> memref<32768x1024xf32, #tpu.memory_space<hbm>>
      tpu.wait_indirect_dma semaphore(%arg12 : memref<!tpu.dma_semaphore, #tpu.memory_space<semaphore_mem>>) src(%dma_wait3A_104 : memref<32768x1024xf32, #tpu.memory_space<hbm>>) dst(%arg8 : memref<16x1024xf32, #tpu.memory_space<vmem>>)
      %mul3A_105 = arith.constant 16 : i32
      %mul3A_106 = arith.muli %add3A_91, %mul3A_105 : i32
      %add3A_107 = arith.addi %mul3A_2, %mul3A_106 : i32
      %dma_start3A_108 = arith.constant 0 : i32
      %dma_start3A_109 = tpu.memref_slice %arg4[%add3A_107, %dma_start3A_108] : memref<32768x1024xf32, #tpu.memory_space<hbm>> -> memref<16x1024xf32, #tpu.memory_space<hbm>>
      %dma_start3A_110 = arith.constant 0 : i32
      %dma_start3A_111 = tpu.memref_slice %arg4[%add3A_107, %dma_start3A_110] : memref<32768x1024xf32, #tpu.memory_space<hbm>> -> memref<16x1024xf32, #tpu.memory_space<hbm>>
      tpu.enqueue_dma source(%arg8 : memref<16x1024xf32, #tpu.memory_space<vmem>>) target(%dma_start3A_111 : memref<16x1024xf32, #tpu.memory_space<hbm>>) target_semaphore(%arg16 : memref<!tpu.dma_semaphore, #tpu.memory_space<semaphore_mem>>)
      %add3A_112 = arith.constant 3 : i32
      %add3A_113 = arith.addi %mul3A_48, %add3A_112 : i32
      %add3A_114 = arith.constant 2 : i32
      %add3A_115 = arith.addi %add3A_113, %add3A_114 : i32
      %lt3A_116 = arith.constant 64 : i32
      %lt3A_117 = arith.cmpi slt, %add3A_115, %lt3A_116 : i32
      %convert_element_type3A_118 = arith.extui %lt3A_117 : i1 to i32
      %cond3A_119 = arith.constant 0 : i32
      %cond3A_120 = arith.cmpi ne, %convert_element_type3A_118, %cond3A_119 : i32
      scf.if %cond3A_120 {
        %ge3A = arith.constant 2 : i32
        %ge3A_135 = arith.cmpi sge, %add3A_113, %ge3A : i32
        %convert_element_type3A_136 = arith.extui %ge3A_135 : i1 to i32
        %cond3A_137 = arith.constant 0 : i32
        %cond3A_138 = arith.cmpi ne, %convert_element_type3A_136, %cond3A_137 : i32
        scf.if %cond3A_138 {
          %sub3A = arith.constant 2 : i32
          %sub3A_147 = arith.subi %add3A_113, %sub3A : i32
          %mul3A_148 = arith.constant 16 : i32
          %mul3A_149 = arith.muli %sub3A_147, %mul3A_148 : i32
          %add3A_150 = arith.addi %mul3A_2, %mul3A_149 : i32
          %dma_wait3A_151 = arith.constant 0 : i32
          %dma_wait3A_152 = tpu.memref_slice %arg4[%add3A_150, %dma_wait3A_151] : memref<32768x1024xf32, #tpu.memory_space<hbm>> -> memref<16x1024xf32, #tpu.memory_space<hbm>>
          %dma_wait3A_153 = arith.constant 0 : i32
          %dma_wait3A_154 = tpu.memref_slice %arg4[%add3A_150, %dma_wait3A_153] : memref<32768x1024xf32, #tpu.memory_space<hbm>> -> memref<16x1024xf32, #tpu.memory_space<hbm>>
          tpu.wait_dma2 semaphore(%arg15 : memref<!tpu.dma_semaphore, #tpu.memory_space<semaphore_mem>>) src(%arg7 : memref<16x1024xf32, #tpu.memory_space<vmem>>) dst(%dma_wait3A_154 : memref<16x1024xf32, #tpu.memory_space<hbm>>)
        } else {
        }
        %add3A_139 = arith.constant 2 : i32
        %add3A_140 = arith.addi %add3A_113, %add3A_139 : i32
        %dma_start3A_141 = arith.constant 0 : i32
        %dma_start3A_142 = tpu.memref_slice %arg5[%add3A_140, %dma_start3A_141] : memref<64x16xi32, #tpu.memory_space<vmem>> -> memref<1x16xi32, #tpu.memory_space<vmem>>
        %dma_start3A_143 = tpu.memref_squeeze %dma_start3A_142 : memref<1x16xi32, #tpu.memory_space<vmem>> -> memref<16xi32, #tpu.memory_space<vmem>>
        %dma_start3A_144 = arith.constant 0 : i32
        %dma_start3A_145 = arith.constant 0 : i32
        %dma_start3A_146 = tpu.memref_slice %arg3[%dma_start3A_144, %dma_start3A_145] : memref<32768x1024xf32, #tpu.memory_space<hbm>> -> memref<32768x1024xf32, #tpu.memory_space<hbm>>
        tpu.enqueue_indirect_dma source(%dma_start3A_146 : memref<32768x1024xf32, #tpu.memory_space<hbm>>) target(%arg7 : memref<16x1024xf32, #tpu.memory_space<vmem>>) offsets(%dma_start3A_143 : memref<16xi32, #tpu.memory_space<vmem>>) semaphore(%arg11 : memref<!tpu.dma_semaphore, #tpu.memory_space<semaphore_mem>>)
      } else {
      }
      %dma_wait3A_121 = arith.constant 0 : i32
      %dma_wait3A_122 = tpu.memref_slice %arg5[%add3A_113, %dma_wait3A_121] : memref<64x16xi32, #tpu.memory_space<vmem>> -> memref<1x16xi32, #tpu.memory_space<vmem>>
      %dma_wait3A_123 = tpu.memref_squeeze %dma_wait3A_122 : memref<1x16xi32, #tpu.memory_space<vmem>> -> memref<16xi32, #tpu.memory_space<vmem>>
      %dma_wait3A_124 = arith.constant 0 : i32
      %dma_wait3A_125 = arith.constant 0 : i32
      %dma_wait3A_126 = tpu.memref_slice %arg3[%dma_wait3A_124, %dma_wait3A_125] : memref<32768x1024xf32, #tpu.memory_space<hbm>> -> memref<32768x1024xf32, #tpu.memory_space<hbm>>
      tpu.wait_indirect_dma semaphore(%arg13 : memref<!tpu.dma_semaphore, #tpu.memory_space<semaphore_mem>>) src(%dma_wait3A_126 : memref<32768x1024xf32, #tpu.memory_space<hbm>>) dst(%arg9 : memref<16x1024xf32, #tpu.memory_space<vmem>>)
      %mul3A_127 = arith.constant 16 : i32
      %mul3A_128 = arith.muli %add3A_113, %mul3A_127 : i32
      %add3A_129 = arith.addi %mul3A_2, %mul3A_128 : i32
      %dma_start3A_130 = arith.constant 0 : i32
      %dma_start3A_131 = tpu.memref_slice %arg4[%add3A_129, %dma_start3A_130] : memref<32768x1024xf32, #tpu.memory_space<hbm>> -> memref<16x1024xf32, #tpu.memory_space<hbm>>
      %dma_start3A_132 = arith.constant 0 : i32
      %dma_start3A_133 = tpu.memref_slice %arg4[%add3A_129, %dma_start3A_132] : memref<32768x1024xf32, #tpu.memory_space<hbm>> -> memref<16x1024xf32, #tpu.memory_space<hbm>>
      tpu.enqueue_dma source(%arg9 : memref<16x1024xf32, #tpu.memory_space<vmem>>) target(%dma_start3A_133 : memref<16x1024xf32, #tpu.memory_space<hbm>>) target_semaphore(%arg17 : memref<!tpu.dma_semaphore, #tpu.memory_space<semaphore_mem>>)
      %scan3A_134 = arith.constant 0 : i32
      scf.yield %scan3A_134 : i32
    }
    %scan3A_21 = arith.constant 16 : i32
    %add3A_22 = arith.constant 960 : i32
    %add3A_23 = arith.addi %mul3A_2, %add3A_22 : i32
    %dma_wait3A = arith.constant 0 : i32
    %dma_wait3A_24 = tpu.memref_slice %arg4[%add3A_23, %dma_wait3A] : memref<32768x1024xf32, #tpu.memory_space<hbm>> -> memref<16x1024xf32, #tpu.memory_space<hbm>>
    %dma_wait3A_25 = arith.constant 0 : i32
    %dma_wait3A_26 = tpu.memref_slice %arg4[%add3A_23, %dma_wait3A_25] : memref<32768x1024xf32, #tpu.memory_space<hbm>> -> memref<16x1024xf32, #tpu.memory_space<hbm>>
    tpu.wait_dma2 semaphore(%arg14 : memref<!tpu.dma_semaphore, #tpu.memory_space<semaphore_mem>>) src(%arg6 : memref<16x1024xf32, #tpu.memory_space<vmem>>) dst(%dma_wait3A_26 : memref<16x1024xf32, #tpu.memory_space<hbm>>)
    %add3A_27 = arith.constant 976 : i32
    %add3A_28 = arith.addi %mul3A_2, %add3A_27 : i32
    %dma_wait3A_29 = arith.constant 0 : i32
    %dma_wait3A_30 = tpu.memref_slice %arg4[%add3A_28, %dma_wait3A_29] : memref<32768x1024xf32, #tpu.memory_space<hbm>> -> memref<16x1024xf32, #tpu.memory_space<hbm>>
    %dma_wait3A_31 = arith.constant 0 : i32
    %dma_wait3A_32 = tpu.memref_slice %arg4[%add3A_28, %dma_wait3A_31] : memref<32768x1024xf32, #tpu.memory_space<hbm>> -> memref<16x1024xf32, #tpu.memory_space<hbm>>
    tpu.wait_dma2 semaphore(%arg15 : memref<!tpu.dma_semaphore, #tpu.memory_space<semaphore_mem>>) src(%arg7 : memref<16x1024xf32, #tpu.memory_space<vmem>>) dst(%dma_wait3A_32 : memref<16x1024xf32, #tpu.memory_space<hbm>>)
    %add3A_33 = arith.constant 992 : i32
    %add3A_34 = arith.addi %mul3A_2, %add3A_33 : i32
    %dma_wait3A_35 = arith.constant 0 : i32
    %dma_wait3A_36 = tpu.memref_slice %arg4[%add3A_34, %dma_wait3A_35] : memref<32768x1024xf32, #tpu.memory_space<hbm>> -> memref<16x1024xf32, #tpu.memory_space<hbm>>
    %dma_wait3A_37 = arith.constant 0 : i32
    %dma_wait3A_38 = tpu.memref_slice %arg4[%add3A_34, %dma_wait3A_37] : memref<32768x1024xf32, #tpu.memory_space<hbm>> -> memref<16x1024xf32, #tpu.memory_space<hbm>>
    tpu.wait_dma2 semaphore(%arg16 : memref<!tpu.dma_semaphore, #tpu.memory_space<semaphore_mem>>) src(%arg8 : memref<16x1024xf32, #tpu.memory_space<vmem>>) dst(%dma_wait3A_38 : memref<16x1024xf32, #tpu.memory_space<hbm>>)
    %add3A_39 = arith.constant 1008 : i32
    %add3A_40 = arith.addi %mul3A_2, %add3A_39 : i32
    %dma_wait3A_41 = arith.constant 0 : i32
    %dma_wait3A_42 = tpu.memref_slice %arg4[%add3A_40, %dma_wait3A_41] : memref<32768x1024xf32, #tpu.memory_space<hbm>> -> memref<16x1024xf32, #tpu.memory_space<hbm>>
    %dma_wait3A_43 = arith.constant 0 : i32
    %dma_wait3A_44 = tpu.memref_slice %arg4[%add3A_40, %dma_wait3A_43] : memref<32768x1024xf32, #tpu.memory_space<hbm>> -> memref<16x1024xf32, #tpu.memory_space<hbm>>
    tpu.wait_dma2 semaphore(%arg17 : memref<!tpu.dma_semaphore, #tpu.memory_space<semaphore_mem>>) src(%arg9 : memref<16x1024xf32, #tpu.memory_space<vmem>>) dst(%dma_wait3A_44 : memref<16x1024xf32, #tpu.memory_space<hbm>>)
    return
  }
}

</mosaic_0001>

<sc_bundles>
// kernel: kernel.3.cloned.1.call-start
scs
__scs_entry_jumppad:
0x0: {  	(pc) =	sbr.rel $0x88, $3  }
0x1: {  	(tag) =	ssettag $0x0;
	lr =	simm.s32 $0x1  }
0x2: {  	[smem:$0x3F9F] =	sst lr;
	_ =	strace $0xD0000000  }
0x3: {  	_ = 	snop  }
0x4: {  	_ = 	snop  }
0x5: {  	_ = 	snop  }
0x6: {  	_ = 	snop  }
0x7: {  	_ = 	snop  }
__scs_overlays_trampoline_lowered:
0x8: {  	[smem:$0x3FAE] =	sst s0  }
0x9: {  	[smem:$0x3FAF] =	sst s1  }
0xa: {  	[smem:$0x3FB0] =	sst s2  }
0xb: {  	[smem:$0x3FB1] =	sst s3  }
0xc: {  	[smem:$0x3FB2] =	sst s4  }
0xd: {  	[smem:$0x3FB3] =	sst s5  }
0xe: {  	[smem:$0x3FB4] =	sst s6  }
0xf: {  	[smem:$0x3FB5] =	sst s7  }
0x10: {  	[smem:$0x3FB6] =	sst s8  }
0x11: {  	[smem:$0x3FB7] =	sst s9;
	s0 =	simm.s32 @!p0 $0x0  }
0x12: {  	s1 =	sld [smem:$0x3F9D];
	s0 =	simm.s32 @p0 $0x1  }
0x13: {  	[smem:$0x3FB8] =	sst s0;
	s0 =	simm.s32 @!p1 $0x0  }
0x14: {  	s2 =	sld [smem:$0x3F9C];
	s0 =	simm.s32 @p1 $0x1  }
0x15: {  	[smem:$0x3FB9] =	sst s0;
	s0 =	simm.s32 @!p2 $0x0  }
0x16: {  	s3 =	sld [smem:$0x3FDB];
	s0 =	simm.s32 @p2 $0x1  }
0x17: {  	s4 =	simm.s32 $0x1BF5;
	[smem:$0x3FBB] =	sst s0  }
0x18: {  	s0 =	sld [smem:$0x3F9E];
	_ =	swait.ge [sflag:s4], $0x0  }
0x19: {  	s7 =	sld [smem:$0x3F9F]  }
0x1a: {  	s8 =	sadd.s32 $0xFFFFE003, lr  }
0x1b: {  	s9 =	sadd.s32 $0xFFFFFEF7, lr;
	s5 =	simm.s32 $0xFFFFFFFF;
	p2 =	slt.u32 s8, $0xFFFFF086  }
0x1c: {  	p1 =	slt.u32 s9, $0xF7A;
	s5 =	simm.s32 @!p2 $0x0  }
0x1d: {  	s5 =	simm.s32 @p1 $0x1;
	p0 =	seq.s32 s7, s2  }
0x1e: {  	s7 =	smul.u32 @!p0 $0xF7A, s2;
	p2 =	seq.s32 @!p0 s5, $0x0  }
0x1f: {  	s9 =	smul.u32 $0xF7A, s1;
	s8 =	simm.s32 @!p0 $0x1BF5;
	p2 =	por !p2, p0  }
0x20: {  	[sflag:s8] =	ssyncset.s32 @!p0 $0xFFFFF086;
	s6 =	sadd.s32 @!p0 s3, s7;
	s7 =	simm.s32 @!p0 $0x108  }
0x21: {  	s3 =	sadd.s32 s3, s9;
	s6 =	sadd.s32 @!p0 $0x88, s6;
	s7 =	simm.s32 @p2 $0x1082  }
0x22: {  	[simem:s7], [sflag:s8] =	dma.local @!p0 [hbm:s6], $0xF7A  }
0x23: {  	s9 =	sor.u32 $0xD0000000, s2;
	s6 =	simm.s32 $0x108;
	_ =	swait.ge @!p0 [sflag:s8], $0x0  }
0x24: {  	s3 =	sadd.s32 $0x88, s3;
	s6 =	simm.s32 @!p1 $0x1082;
	[sflag:s4] =	ssyncset.s32 $0xFFFFF086  }
0x25: {  	[simem:s6], [sflag:s4] =	dma.local [hbm:s3], $0xF7A  }
0x26: {  	[smem:$0x3F9F] =	sst s1;
	(tag) =	ssettag s2;
	_ =	strace s9  }
0x27: {  	s1 =	sld [smem:$0x3FAF]  }
0x28: {  	s2 =	sld [smem:$0x3FB0]  }
0x29: {  	s4 =	sld [smem:$0x3FB2]  }
0x2a: {  	p0 =	seq.s32 s5, $0x0;
	s5 =	sld [smem:$0x3FB3]  }
0x2b: {  	s6 =	sld [smem:$0x3FB4]  }
0x2c: {  	s7 =	sld [smem:$0x3FB5]  }
0x2d: {  	s3 =	simm.s32 $0x108;
	s8 =	sld [smem:$0x3FB6]  }
0x2e: {  	s3 =	simm.s32 @!p0 $0x1082;
	s9 =	sld [smem:$0x3FB7]  }
0x2f: {  	lr =	sadd.s32 s0, s3;
	s0 =	sld [smem:$0x3FAE]  }
0x30: {  	s3 =	sld [smem:$0x3FB1]  }
0x31: {  	[smem:$0x3FBA] =	sst s10  }
0x32: {  	s10 =	sld [smem:$0x3FB8];
	_ =	sdelay $0x3  }
0x33: {  	p0 =	seq.s32 s10, $0x1;
	s10 =	sld [smem:$0x3FBA];
	_ =	sdelay $0x3  }
0x34: {  	[smem:$0x3FBA] =	sst s10  }
0x35: {  	s10 =	sld [smem:$0x3FB9];
	_ =	sdelay $0x3  }
0x36: {  	p1 =	seq.s32 s10, $0x1;
	s10 =	sld [smem:$0x3FBA];
	_ =	sdelay $0x3  }
0x37: {  	[smem:$0x3FBA] =	sst s10  }
0x38: {  	s10 =	sld [smem:$0x3FBB]  }
0x39: {  	_ = 	snop;
	(pc) =	sbr.ind lr, $3  }
0x3a: {  	_ = 	snop  }
0x3b: {  	_ = 	snop  }
0x3c: {  	p2 =	seq.s32 s10, $0x1;
	s10 =	sld [smem:$0x3FBA]  }
0x3d: {  	_ =	shalt  }
0x3e: {  	_ =	shalt  }
0x3f: {  	_ =	shalt  }
0x40: {  	_ =	shalt  }
0x41: {  	_ =	shalt  }
0x42: {  	_ =	shalt  }
0x43: {  	_ =	shalt  }
0x44: {  	_ =	shalt  }
0x45: {  	_ =	shalt  }
0x46: {  	_ =	shalt  }
0x47: {  	_ =	shalt  }
0x48: {  	_ =	shalt  }
0x49: {  	_ =	shalt  }
0x4a: {  	_ =	shalt  }
0x4b: {  	_ =	shalt  }
0x4c: {  	_ =	shalt  }
0x4d: {  	_ =	shalt  }
0x4e: {  	_ =	shalt  }
0x4f: {  	_ =	shalt  }
0x50: {  	_ =	shalt  }
0x51: {  	_ =	shalt  }
0x52: {  	_ =	shalt  }
0x53: {  	_ =	shalt  }
0x54: {  	_ =	shalt  }
0x55: {  	_ =	shalt  }
0x56: {  	_ =	shalt  }
0x57: {  	_ =	shalt  }
0x58: {  	_ =	shalt  }
0x59: {  	_ =	shalt  }
0x5a: {  	_ =	shalt  }
0x5b: {  	_ =	shalt  }
0x5c: {  	_ =	shalt  }
0x5d: {  	_ =	shalt  }
0x5e: {  	_ =	shalt  }
0x5f: {  	_ =	shalt  }
0x60: {  	_ =	shalt  }
0x61: {  	_ =	shalt  }
0x62: {  	_ =	shalt  }
0x63: {  	_ =	shalt  }
0x64: {  	_ =	shalt  }
0x65: {  	_ =	shalt  }
0x66: {  	_ =	shalt  }
0x67: {  	_ =	shalt  }
0x68: {  	_ =	shalt  }
0x69: {  	_ =	shalt  }
0x6a: {  	_ =	shalt  }
0x6b: {  	_ =	shalt  }
0x6c: {  	_ =	shalt  }
0x6d: {  	_ =	shalt  }
0x6e: {  	_ =	shalt  }
0x6f: {  	_ =	shalt  }
0x70: {  	_ =	shalt  }
0x71: {  	_ =	shalt  }
0x72: {  	_ =	shalt  }
0x73: {  	_ =	shalt  }
0x74: {  	_ =	shalt  }
0x75: {  	_ =	shalt  }
0x76: {  	_ =	shalt  }
0x77: {  	_ =	shalt  }
0x78: {  	_ =	shalt  }
0x79: {  	_ =	shalt  }
0x7a: {  	_ =	shalt  }
0x7b: {  	_ =	shalt  }
0x7c: {  	_ =	shalt  }
0x7d: {  	_ =	shalt  }
0x7e: {  	_ =	shalt  }
0x7f: {  	_ =	shalt  }
0x80: {  	_ =	shalt  }
0x81: {  	_ =	shalt  }
0x82: {  	_ =	shalt  }
0x83: {  	_ =	shalt  }
0x84: {  	_ =	shalt  }
0x85: {  	_ =	shalt  }
0x86: {  	_ =	shalt  }
0x87: {  	_ =	shalt  }
.Lfunc_end0:
.L_simem_size_0:
called_computation_lowered:
.L_overlay_start_0:
0x88: {  	s2 =	sld [smem:$0x3FD9]  }
0x89: {  	s3 =	sld [smem:$0x3FFE];
	_ =	sdelay $0x1  }
0x8a: {  	s1 =	srdreg.scid  }
0x8b: {  	s0 =	sand.u32 $0x1, s1  }
0x8c: {  	s17 =	sshll.u32 s0, $0xA;
	s2 =	sadd.s32 s3, s2  }
0x8d: {  	s2 =	sadd.s32 s2, s17  }
0x8e: {  	[smem:$0x3FC6] =	sst s2  }
0x8f: {  	_ = 	snop  }
0x90: {  	s2 =	sld [smem:$0x3FC8]  }
0x91: {  	s18 =	sld [smem:$0x3FD0];
	(tm) =	ssettm $0x1  }
0x92: {  	s4 =	sld [smem:$0x3FFB];
	_ =	sdelay $0x3  }
0x93: {  	_ =	strace s4  }
0x94: {  	s4 =	sld [smem:$0x3FFC];
	_ =	sdelay $0x3  }
0x95: {  	_ =	strace s4  }
0x96: {  	s4 =	sld [smem:$0x3FFD];
	_ =	sdelay $0x3  }
0x97: {  	_ =	strace s4  }
0x98: {  	_ =	strace $0x8FFFFFFF  }
0x99: {  	s19 =	sld [smem:$0x3FDB];
	_ =	sdelay $0x1  }
0x9a: {  	s5 =	simm.s32 $_scs_section_size  }
0x9b: {  	s6 =	simm.s32 $_size__tile_overlayer_lowered;
	s7 =	simm.s32 $_tile_overlayer_lowered  }
0x9c: {  	s22 =	simm.s32 $0x1BFF;
	s21 =	sshll.u32 s7, $0x1;
	s4 =	sadd.s32 s5, s19  }
0x9d: {  	s8 =	simm.s32 $0x0;
	s20 =	sshll.u32 s6, $0x1;
	s6 =	sadd.s32 s21, s4  }
0x9e: {  	[timem:s8], [sflag:s22] =	dma.local [hbm:s6], s20  }
0x9f: {  	_ =	swait.ge [sflag:s22], s20  }
0xa0: {  	s5 =	ssub.s32 $0x0, s20;
	[sflag:s22] =	ssyncset.done $0x0  }
0xa1: {  	[sflag:s22] =	ssyncadd.s32 s5;
	_ =	sdelay $0x1  }
0xa2: {  	s23 =	simm.s32 $0x1B8B  }
0xa3: {  	_ =	swait.ge [sflag:s23], $0x1  }
0xa4: {  	[sflag:s23] =	ssyncset.done $0x0  }
0xa5: {  	s25 =	simm.s32 $0x1B8E;
	s24 =	sld [smem:$0x3FFE];
	[sflag:s23] =	ssyncadd.s32 $0xFFFFFFFF  }
0xa6: {  	s26 =	simm.s32 $execute0_lowered;
	[smem:$0x3FD2] =	sst s25  }
0xa7: {  	s6 =	sshll.u32 s26, $0x1;
	_ =	strace $0x80000046;
	[dreg:$0x1] =	wrdreg $0xFFFFFFFF  }
0xa8: {  	s28 =	simm.s32 $_size_execute0_lowered;
	s4 =	sadd.s32 s4, s6;
	[dreg:$0x0] =	wrdreg $0x0  }
0xa9: {  	s6 =	sshll.u32 s28, $0x1;
	[dreg:$0x2] =	wrdreg s4  }
0xaa: {  	[dreg:$0x3] =	wrdreg s6  }
0xab: {  	[dreg:$0x4] =	wrdreg $0xC0  }
0xac: {  	_ =	task [dreg:s8], $0x5FFFF  }
0xad: {  	[dreg:$0x1] =	wrdreg $0xFFFFFFFF  }
0xae: {  	[dreg:$0x0] =	wrdreg $0x60  }
0xaf: {  	[dreg:$0x2] =	wrdreg s24  }
0xb0: {  	[dreg:$0x3] =	wrdreg s2  }
0xb1: {  	[dreg:$0x4] =	wrdreg s18  }
0xb2: {  	[dreg:$0x5] =	wrdreg $0x9  }
0xb3: {  	_ =	task.clear_ibuf [dreg:s8], $0x6FFFF;
	_ =	strace $0x90000046  }
0xb4: {  	s29 =	simm.s32 $0x9;
	_ =	strace $0x80000048  }
0xb5: {  	_ =	swait.ge [sflag:s29], $0x1  }
0xb6: {  	[sflag:s29] =	ssyncadd.s32 $0xFFFFFFFF  }
0xb7: {  	_ =	strace $0x90000048  }
0xb8: {  	_ =	sfence  }
0xb9: {  	s30 =	sld [smem:$0x0];
	_ =	sdelay $0x2  }
0xba: {  	s31 =	sshll.u32 s1, $0xD;
	s1 =	sshrl.u32 s1, $0x2  }
0xbb: {  	s3 =	sand.u32 $0x4000, s31;
	s1 =	sadd.s32 s1, s30  }
0xbc: {  	s0 =	sor.u32 s3, s0;
	s1 =	sshll.u32 s1, $0x11  }
0xbd: {  	s0 =	sor.u32 s1, s0  }
0xbe: {  	s0 =	sadd.s32 $0x8F2B, s0  }
0xbf: {  	[sflag:s0] =	ssyncadd.remote.s32 $0x1  }
0xc0: {  	_ =	sfence.sel $0xFFFF  }
0xc1: {  	[dreg:$0x0] =	wrdreg $0xFFFFFFFF;
	(pc) =	sbr.abs _section_cstart, $3  }
0xc2: {  	[dreg:$0x1] =	wrdreg $0xFFFFFFFF  }
0xc3: {  	_ =	task.clear_ibuf [dreg:s8], $0x2FFFF;
	_ =	strace $0x9FFFFFFF  }
0xc4: {  	(tm) =	ssettm $0x7FFFFFFF  }
0xc5: {  	_ =	shalt  }
tec
execute0_lowered:
.L_overlay_start_1:
0x0: {  	(tag) =	ssettag $0x1  }
0x1: {  	s0 =	rddreg [dreg:$0x0]  }
0x2: {  	s2 =	rddreg [dreg:$0x1]  }
0x3: {  	s1 =	rddreg [dreg:$0x2]  }
0x4: {  	s3 =	srdreg.scid;
	s10 =	stileid.u32;
	s12 =	simm.s32 $0x2000  }
0x5: {  	s20 =	simm.s32 $0x6000;
	s29 =	simm.s32 $0xA000;
	s11 =	simm.s32 $0xD800  }
0x6: {  	s13 =	simm.s32 $0x1;
	s14 =	simm.s32 $0xE000;
	s15 =	simm.s32 $0xE800  }
0x7: {  	s16 =	simm.s32 $0xF000;
	s17 =	simm.s32 $0xF800;
	s18 =	simm.s32 $0x10000  }
0x8: {  	s19 =	simm.s32 $0x10800;
	s21 =	simm.s32 $0x11000;
	s22 =	simm.s32 $0x11800  }
0x9: {  	s23 =	simm.s32 $0x2;
	s28 =	simm.s32 $0x6;
	s30 =	simm.s32 $0x0  }
0xa: {  	s4 =	sand.u32 $0x1, s3;
	s5 =	sshll.u32 s10, $0x1;
	s3 =	simm.s32 $0x0  }
0xb: {  	s24 =	sshll.u32 s10, $0x12;
	s5 =	sor.u32 s4, s5;
	s6 =	ssub.s32 $0x2, s4  }
0xc: {  	[smem:$0x7FF] =	sst s3;
	s25 =	sshll.u32 s4, $0x11;
	s4 =	simm.s32 $0xC800  }
0xd: {  	s7 =	sshll.u32 s5, $0xA;
	s8 =	sshrl.u32 s6, $0x1;
	_ =	strace $0x80000047  }
0xe: {  	s9 =	sshll.u32 s5, $0x11;
	s5 =	sadd.s32 $0x100, s2;
	s0 =	sadd.s32 s7, s0  }
0xf: {  	s8 =	ssub.s32 s6, s8;
	s6 =	sadd.s32 $0x200, s2;
	s7 =	sadd.s32 $0x300, s2  }
.Ltmp0:
0x10: {  	s9 =	sadd.s32 s9, s1;
	s0 =	sadd.s32 $0x400, s0;
	(pc) =	sbr.rel .LBB2_1-.Ltmp0, $4  }
0x11: {  	s26 =	sadd.s32 $0x1F000, s9;
	s31 =	smax.u32 s8, $0x1;
	[dreg:$0x4] =	wrdreg s0  }
0x12: {  	v2 =	vlaneseq.u32;
	s9 =	simm.s32 $0xD000;
	s0 =	sadd.s32 s24, s1;
	[dreg:$0x5] =	wrdreg s26  }
0x13: {  	vm0 =	vmmov $0xffff;
	v1 =	vshrl.u32 v2, $0x3;
	[dreg:$0x6] =	wrdreg s31;
	s1 =	simm.s32 $0xC000;
	s24 =	simm.s32 $0x3  }
0x14: {  	v0 =	vand.u32 $0x7, v2;
	v2 =	vor.u32 $0x8, v2;
	v1 =	vmul.u32 $0x8, v1;
	s26 =	simm.s32 $0x5;
	s10 =	sadd.s32 s25, s0;
	s25 =	simm.s32 $0x4  }
.LBB2_6:
0x15: {  	_ =	swait.ge [sflag:s26], $0x4000  }
0x16: {  	[sflag:s26] =	ssyncset.done $0x0  }
0x17: {  	[sflag:s26] =	ssyncadd.s32 $0xFFFFC000  }
0x18: {  	_ =	swait.ge [sflag:s28], $0x4000  }
0x19: {  	[sflag:s28] =	ssyncset.done $0x0  }
0x1a: {  	s0 =	simm.s32 $0x7;
	[sflag:s28] =	ssyncadd.s32 $0xFFFFC000  }
0x1b: {  	_ =	swait.ge [sflag:s0], $0x4000  }
0x1c: {  	[sflag:s0] =	ssyncset.done $0x0  }
0x1d: {  	s8 =	simm.s32 $0x8;
	[sflag:s0] =	ssyncadd.s32 $0xFFFFC000  }
0x1e: {  	_ =	swait.ge [sflag:s8], $0x4000  }
0x1f: {  	s30 =	rddreg [dreg:$0x7]  }
0x20: {  	s31 =	rddreg [dreg:$0x6];
	s30 =	sadd.s32 $0x1, s30  }
0x21: {  	p0 =	sne.s32 s30, s31  }
.Ltmp1:
0x22: {  	_ = 	snop;
	(pc) =	sbr.rel @!p0 .LBB2_7-.Ltmp1, $3  }
0x23: {  	_ =	sdelay $0x1  }
0x24: {  	[sflag:s8] =	ssyncset.done $0x0  }
0x25: {  	[sflag:s8] =	ssyncadd.s32 $0xFFFFC000  }
.LBB2_1:
0x26: {  	[dreg:$0x7] =	wrdreg s30  }
0x27: {  	s0 =	rddreg [dreg:$0x4];
	s31 =	simm.s32 $0x9  }
0x28: {  	[tilespmem:s3], [sflag:$0x9] =	stream.linear.gather [hbm4b:s0+s3], $0x2000, $0x38;
	[tilespmem:$0x12000] =	vst v63  }
0x29: {  	_ =	swait.ge [sflag:s31], $0x2000  }
0x2a: {  	[sflag:s31] =	ssyncset.done $0x0  }
0x2b: {  	[sflag:s31] =	ssyncadd.s32 $0xFFFFE000  }
0x2c: {  	v3 =	vld [tilespmem:$0x0];
	_ =	sdelay $0x4  }
0x2d: {  	v4 =	vshll.u32 v3, $0x3  }
0x2e: {  	v3 =	vand.u32 $0x7, v3;
	v4 =	vand.u32 $0xFFFFFFC0, v4  }
0x2f: {  	v3 =	vor.u32 v3, v4  }
0x30: {  	v4 =	vperm.xlane v3, v0;
	_ =	sdelay $0x1  }
0x31: {  	v4 =	vadd.s32 v1, v4;
	_ =	sdelay $0x4  }
0x32: {  	[tilespmem:s12], [sflag:$0x1] =	stream.indirect_vreg.gather [hbm4b:s2+s3], $0x80, v4, vm0, $0xb8;
	[tilespmem:$0x12000] =	vst v63  }
0x33: {  	s8 =	simm.s32 $0x2800;
	v3 =	vperm.xlane v3, v2  }
0x34: {  	[tilespmem:s8], [sflag:$0x1] =	stream.indirect_vreg.gather [hbm4b:s5+s3], $0x80, v4, vm0, $0xb8;
	[tilespmem:$0x12000] =	vst v63  }
0x35: {  	s31 =	simm.s32 $0x3000;
	v3 =	vadd.s32 v1, v3  }
0x36: {  	[tilespmem:s31], [sflag:$0x1] =	stream.indirect_vreg.gather [hbm4b:s6+s3], $0x80, v4, vm0, $0xb8;
	[tilespmem:$0x12000] =	vst v63  }
0x37: {  	s8 =	simm.s32 $0x3800  }
0x38: {  	[tilespmem:s8], [sflag:$0x1] =	stream.indirect_vreg.gather [hbm4b:s7+s3], $0x80, v4, vm0, $0xb8;
	[tilespmem:$0x12000] =	vst v63  }
0x39: {  	s31 =	simm.s32 $0x4000  }
0x3a: {  	[tilespmem:s31], [sflag:$0x1] =	stream.indirect_vreg.gather [hbm4b:s2+s3], $0x80, v3, vm0, $0xb8;
	[tilespmem:$0x12000] =	vst v63  }
0x3b: {  	s8 =	simm.s32 $0x4800  }
0x3c: {  	[tilespmem:s8], [sflag:$0x1] =	stream.indirect_vreg.gather [hbm4b:s5+s3], $0x80, v3, vm0, $0xb8;
	[tilespmem:$0x12000] =	vst v63  }
0x3d: {  	s31 =	simm.s32 $0x5000  }
0x3e: {  	[tilespmem:s31], [sflag:$0x1] =	stream.indirect_vreg.gather [hbm4b:s6+s3], $0x80, v3, vm0, $0xb8;
	[tilespmem:$0x12000] =	vst v63  }
0x3f: {  	s8 =	simm.s32 $0x5800  }
0x40: {  	[tilespmem:s8], [sflag:$0x1] =	stream.indirect_vreg.gather [hbm4b:s7+s3], $0x80, v3, vm0, $0xb8;
	[tilespmem:$0x12000] =	vst v63  }
0x41: {  	v3 =	vld [tilespmem:$0x80];
	_ =	sdelay $0x4  }
0x42: {  	v63 =	vshll.u32 v3, $0x3  }
0x43: {  	v3 =	vand.u32 $0x7, v3;
	v4 =	vand.u32 $0xFFFFFFC0, v63  }
0x44: {  	v3 =	vor.u32 v3, v4  }
0x45: {  	v4 =	vperm.xlane v3, v0;
	_ =	sdelay $0x1  }
0x46: {  	v4 =	vadd.s32 v1, v4;
	_ =	sdelay $0x4  }
0x47: {  	[tilespmem:s20], [sflag:$0x2] =	stream.indirect_vreg.gather [hbm4b:s2+s3], $0x80, v4, vm0, $0xb8;
	[tilespmem:$0x12000] =	vst v63  }
0x48: {  	s31 =	simm.s32 $0x6800;
	v3 =	vperm.xlane v3, v2  }
0x49: {  	[tilespmem:s31], [sflag:$0x2] =	stream.indirect_vreg.gather [hbm4b:s5+s3], $0x80, v4, vm0, $0xb8;
	[tilespmem:$0x12000] =	vst v63  }
0x4a: {  	s8 =	simm.s32 $0x7000;
	v3 =	vadd.s32 v1, v3  }
0x4b: {  	[tilespmem:s8], [sflag:$0x2] =	stream.indirect_vreg.gather [hbm4b:s6+s3], $0x80, v4, vm0, $0xb8;
	[tilespmem:$0x12000] =	vst v63  }
0x4c: {  	s31 =	simm.s32 $0x7800  }
0x4d: {  	[tilespmem:s31], [sflag:$0x2] =	stream.indirect_vreg.gather [hbm4b:s7+s3], $0x80, v4, vm0, $0xb8;
	[tilespmem:$0x12000] =	vst v63  }
0x4e: {  	s8 =	simm.s32 $0x8000  }
0x4f: {  	[tilespmem:s8], [sflag:$0x2] =	stream.indirect_vreg.gather [hbm4b:s2+s3], $0x80, v3, vm0, $0xb8;
	[tilespmem:$0x12000] =	vst v63  }
0x50: {  	s31 =	simm.s32 $0x8800  }
0x51: {  	[tilespmem:s31], [sflag:$0x2] =	stream.indirect_vreg.gather [hbm4b:s5+s3], $0x80, v3, vm0, $0xb8;
	[tilespmem:$0x12000] =	vst v63  }
.Ltmp2:
0x52: {  	_ = 	snop;
	(pc) =	sbr.rel .LBB2_2-.Ltmp2, $4  }
0x53: {  	s8 =	simm.s32 $0x9000  }
0x54: {  	[tilespmem:s8], [sflag:$0x2] =	stream.indirect_vreg.gather [hbm4b:s6+s3], $0x80, v3, vm0, $0xb8;
	[tilespmem:$0x12000] =	vst v63  }
0x55: {  	s30 =	simm.s32 $0x0;
	s31 =	simm.s32 $0x9800;
	s8 =	simm.s32 $0x180  }
0x56: {  	[tilespmem:s31], [sflag:$0x2] =	stream.indirect_vreg.gather [hbm4b:s7+s3], $0x80, v3, vm0, $0xb8;
	[tilespmem:$0x12000] =	vst v63  }
.LBB2_4:
0x57: {  	_ =	swait.ge [sflag:s24], $0x4000  }
0x58: {  	[sflag:s24] =	ssyncset.done $0x0  }
0x59: {  	s0 =	rddreg [dreg:$0x5];
	[sflag:s24] =	ssyncadd.s32 $0xFFFFC000  }
0x5a: {  	[hbm4b:s0+s3] =	stream.linear.scatter [tilespmem:s29], [sflag:$0x7], $0x4000, $0x38;
	[tilespmem:$0x12000] =	vst v63  }
.LBB2_5:
0x5b: {  	s30 =	sadd.s32 $0x2000, s30  }
0x5c: {  	p0 =	sne.s32 s30, $0x20000  }
.Ltmp3:
0x5d: {  	_ = 	snop;
	(pc) =	sbr.rel @!p0 .LBB2_6-.Ltmp3, $4  }
0x5e: {  	_ =	swait.ge [sflag:s25], $0x4000  }
0x5f: {  	[sflag:s25] =	ssyncset.done $0x0  }
0x60: {  	s0 =	sadd.s32 $0x1800, s31;
	s8 =	sadd.s32 $0x200, s8;
	[sflag:s25] =	ssyncadd.s32 $0xFFFFC000  }
0x61: {  	[hbm4b:s0+s3] =	stream.linear.scatter [tilespmem:s14], [sflag:$0x8], $0x4000, $0x38;
	[tilespmem:$0x12000] =	vst v63  }
.LBB2_2:
0x62: {  	p0 =	seq.s32 s30, $0x0  }
0x63: {  	s31 =	simm.s32 @!p0 $0x7  }
0x64: {  	_ =	swait.ge @!p0 [sflag:s31], $0x4000  }
0x65: {  	[sflag:s31] =	ssyncset.done @!p0 $0x0  }
0x66: {  	[sflag:s31] =	ssyncadd.s32 @!p0 $0xFFFFC000  }
0x67: {  	v3 =	vld [tilespmem:s8+$0xFFFFFF80];
	_ =	sdelay $0x4  }
0x68: {  	v4 =	vshll.u32 v3, $0x3  }
0x69: {  	v3 =	vand.u32 $0x7, v3;
	v4 =	vand.u32 $0xFFFFFFC0, v4  }
0x6a: {  	v3 =	vor.u32 v3, v4  }
0x6b: {  	v4 =	vperm.xlane v3, v0;
	_ =	sdelay $0x1  }
0x6c: {  	v4 =	vadd.s32 v1, v4;
	_ =	sdelay $0x4  }
0x6d: {  	[tilespmem:s29], [sflag:$0x3] =	stream.indirect_vreg.gather [hbm4b:s2+s3], $0x80, v4, vm0, $0xb8;
	[tilespmem:$0x12000] =	vst v63  }
0x6e: {  	s0 =	simm.s32 $0xA800;
	v3 =	vperm.xlane v3, v2  }
0x6f: {  	[tilespmem:s0], [sflag:$0x3] =	stream.indirect_vreg.gather [hbm4b:s5+s3], $0x80, v4, vm0, $0xb8;
	[tilespmem:$0x12000] =	vst v63  }
0x70: {  	v3 =	vadd.s32 v1, v3;
	s0 =	simm.s32 $0xB000  }
0x71: {  	[tilespmem:s0], [sflag:$0x3] =	stream.indirect_vreg.gather [hbm4b:s6+s3], $0x80, v4, vm0, $0xb8;
	[tilespmem:$0x12000] =	vst v63  }
0x72: {  	s0 =	simm.s32 $0xB800  }
0x73: {  	[tilespmem:s0], [sflag:$0x3] =	stream.indirect_vreg.gather [hbm4b:s7+s3], $0x80, v4, vm0, $0xb8;
	[tilespmem:$0x12000] =	vst v63  }
0x74: {  	_ = 	snop  }
0x75: {  	[tilespmem:s1], [sflag:$0x3] =	stream.indirect_vreg.gather [hbm4b:s2+s3], $0x80, v3, vm0, $0xb8;
	[tilespmem:$0x12000] =	vst v63  }
0x76: {  	_ = 	snop  }
0x77: {  	[tilespmem:s4], [sflag:$0x3] =	stream.indirect_vreg.gather [hbm4b:s5+s3], $0x80, v3, vm0, $0xb8;
	[tilespmem:$0x12000] =	vst v63  }
0x78: {  	_ = 	snop  }
0x79: {  	[tilespmem:s9], [sflag:$0x3] =	stream.indirect_vreg.gather [hbm4b:s6+s3], $0x80, v3, vm0, $0xb8;
	[tilespmem:$0x12000] =	vst v63  }
0x7a: {  	_ = 	snop  }
0x7b: {  	[tilespmem:s11], [sflag:$0x3] =	stream.indirect_vreg.gather [hbm4b:s7+s3], $0x80, v3, vm0, $0xb8;
	[tilespmem:$0x12000] =	vst v63  }
0x7c: {  	_ =	swait.ge [sflag:s13], $0x4000  }
0x7d: {  	[sflag:s13] =	ssyncset.done $0x0  }
0x7e: {  	s31 =	sadd.s32 s30, s10;
	s0 =	simm.s32 @!p0 $0x8;
	[sflag:s13] =	ssyncadd.s32 $0xFFFFC000  }
0x7f: {  	[hbm4b:s31+s3] =	stream.linear.scatter [tilespmem:s12], [sflag:$0x5], $0x4000, $0x38;
	[tilespmem:$0x12000] =	vst v63  }
0x80: {  	_ =	swait.ge @!p0 [sflag:s0], $0x4000  }
0x81: {  	[sflag:s0] =	ssyncset.done @!p0 $0x0  }
0x82: {  	[sflag:s0] =	ssyncadd.s32 @!p0 $0xFFFFC000  }
0x83: {  	v3 =	vld [tilespmem:s8+$0x0];
	_ =	sdelay $0x4  }
0x84: {  	v63 =	vshll.u32 v3, $0x3  }
0x85: {  	v3 =	vand.u32 $0x7, v3;
	v4 =	vand.u32 $0xFFFFFFC0, v63  }
0x86: {  	v3 =	vor.u32 v3, v4  }
0x87: {  	v4 =	vperm.xlane v3, v0;
	_ =	sdelay $0x1  }
0x88: {  	v4 =	vadd.s32 v1, v4;
	_ =	sdelay $0x4  }
0x89: {  	[tilespmem:s14], [sflag:$0x4] =	stream.indirect_vreg.gather [hbm4b:s2+s3], $0x80, v4, vm0, $0xb8;
	[tilespmem:$0x12000] =	vst v63  }
0x8a: {  	v3 =	vperm.xlane v3, v2  }
0x8b: {  	[tilespmem:s15], [sflag:$0x4] =	stream.indirect_vreg.gather [hbm4b:s5+s3], $0x80, v4, vm0, $0xb8;
	[tilespmem:$0x12000] =	vst v63  }
0x8c: {  	v3 =	vadd.s32 v1, v3  }
0x8d: {  	[tilespmem:s16], [sflag:$0x4] =	stream.indirect_vreg.gather [hbm4b:s6+s3], $0x80, v4, vm0, $0xb8;
	[tilespmem:$0x12000] =	vst v63  }
0x8e: {  	_ = 	snop  }
0x8f: {  	[tilespmem:s17], [sflag:$0x4] =	stream.indirect_vreg.gather [hbm4b:s7+s3], $0x80, v4, vm0, $0xb8;
	[tilespmem:$0x12000] =	vst v63  }
0x90: {  	_ = 	snop  }
0x91: {  	[tilespmem:s18], [sflag:$0x4] =	stream.indirect_vreg.gather [hbm4b:s2+s3], $0x80, v3, vm0, $0xb8;
	[tilespmem:$0x12000] =	vst v63  }
0x92: {  	_ = 	snop  }
0x93: {  	[tilespmem:s19], [sflag:$0x4] =	stream.indirect_vreg.gather [hbm4b:s5+s3], $0x80, v3, vm0, $0xb8;
	[tilespmem:$0x12000] =	vst v63  }
0x94: {  	_ = 	snop  }
0x95: {  	[tilespmem:s21], [sflag:$0x4] =	stream.indirect_vreg.gather [hbm4b:s6+s3], $0x80, v3, vm0, $0xb8;
	[tilespmem:$0x12000] =	vst v63  }
0x96: {  	p0 =	seq.s32 s30, $0x1E000  }
0x97: {  	[tilespmem:s22], [sflag:$0x4] =	stream.indirect_vreg.gather [hbm4b:s7+s3], $0x80, v3, vm0, $0xb8;
	[tilespmem:$0x12000] =	vst v63  }
.Ltmp4:
0x98: {  	_ = 	snop;
	(pc) =	sbr.rel @p0 .LBB2_4-.Ltmp4, $4  }
0x99: {  	_ =	swait.ge [sflag:s23], $0x4000  }
0x9a: {  	[sflag:s23] =	ssyncset.done $0x0  }
0x9b: {  	s0 =	sadd.s32 $0x800, s31;
	[sflag:s23] =	ssyncadd.s32 $0xFFFFC000  }
0x9c: {  	[hbm4b:s0+s3] =	stream.linear.scatter [tilespmem:s20], [sflag:$0x6], $0x4000, $0x38;
	[tilespmem:$0x12000] =	vst v63  }
0x9d: {  	_ =	swait.ge [sflag:s26], $0x4000  }
0x9e: {  	[sflag:s26] =	ssyncset.done $0x0  }
0x9f: {  	[sflag:s26] =	ssyncadd.s32 $0xFFFFC000  }
0xa0: {  	v3 =	vld [tilespmem:s8+$0x80];
	_ =	sdelay $0x4  }
0xa1: {  	v4 =	vshll.u32 v3, $0x3  }
0xa2: {  	v3 =	vand.u32 $0x7, v3;
	v4 =	vand.u32 $0xFFFFFFC0, v4  }
0xa3: {  	v3 =	vor.u32 v3, v4  }
0xa4: {  	v4 =	vperm.xlane v3, v0;
	_ =	sdelay $0x1  }
0xa5: {  	v4 =	vadd.s32 v1, v4;
	_ =	sdelay $0x4  }
0xa6: {  	[tilespmem:s12], [sflag:$0x1] =	stream.indirect_vreg.gather [hbm4b:s2+s3], $0x80, v4, vm0, $0xb8;
	[tilespmem:$0x12000] =	vst v63  }
0xa7: {  	s0 =	simm.s32 $0x2800;
	v3 =	vperm.xlane v3, v2  }
0xa8: {  	[tilespmem:s0], [sflag:$0x1] =	stream.indirect_vreg.gather [hbm4b:s5+s3], $0x80, v4, vm0, $0xb8;
	[tilespmem:$0x12000] =	vst v63  }
0xa9: {  	v3 =	vadd.s32 v1, v3;
	s0 =	simm.s32 $0x3000  }
0xaa: {  	[tilespmem:s0], [sflag:$0x1] =	stream.indirect_vreg.gather [hbm4b:s6+s3], $0x80, v4, vm0, $0xb8;
	[tilespmem:$0x12000] =	vst v63  }
0xab: {  	s0 =	simm.s32 $0x3800  }
0xac: {  	[tilespmem:s0], [sflag:$0x1] =	stream.indirect_vreg.gather [hbm4b:s7+s3], $0x80, v4, vm0, $0xb8;
	[tilespmem:$0x12000] =	vst v63  }
0xad: {  	s0 =	simm.s32 $0x4000  }
0xae: {  	[tilespmem:s0], [sflag:$0x1] =	stream.indirect_vreg.gather [hbm4b:s2+s3], $0x80, v3, vm0, $0xb8;
	[tilespmem:$0x12000] =	vst v63  }
0xaf: {  	s0 =	simm.s32 $0x4800  }
0xb0: {  	[tilespmem:s0], [sflag:$0x1] =	stream.indirect_vreg.gather [hbm4b:s5+s3], $0x80, v3, vm0, $0xb8;
	[tilespmem:$0x12000] =	vst v63  }
0xb1: {  	s0 =	simm.s32 $0x5000  }
0xb2: {  	[tilespmem:s0], [sflag:$0x1] =	stream.indirect_vreg.gather [hbm4b:s6+s3], $0x80, v3, vm0, $0xb8;
	[tilespmem:$0x12000] =	vst v63  }
0xb3: {  	s0 =	simm.s32 $0x5800  }
0xb4: {  	[tilespmem:s0], [sflag:$0x1] =	stream.indirect_vreg.gather [hbm4b:s7+s3], $0x80, v3, vm0, $0xb8;
	[tilespmem:$0x12000] =	vst v63  }
0xb5: {  	_ =	swait.ge [sflag:s24], $0x4000  }
0xb6: {  	[sflag:s24] =	ssyncset.done $0x0  }
0xb7: {  	s0 =	sadd.s32 $0x1000, s31;
	[sflag:s24] =	ssyncadd.s32 $0xFFFFC000  }
0xb8: {  	[hbm4b:s0+s3] =	stream.linear.scatter [tilespmem:s29], [sflag:$0x7], $0x4000, $0x38;
	[tilespmem:$0x12000] =	vst v63  }
0xb9: {  	_ =	swait.ge [sflag:s28], $0x4000  }
0xba: {  	[sflag:s28] =	ssyncset.done $0x0  }
0xbb: {  	[sflag:s28] =	ssyncadd.s32 $0xFFFFC000  }
0xbc: {  	v3 =	vld [tilespmem:s8+$0x100];
	_ =	sdelay $0x4  }
0xbd: {  	v63 =	vshll.u32 v3, $0x3  }
0xbe: {  	v3 =	vand.u32 $0x7, v3;
	v4 =	vand.u32 $0xFFFFFFC0, v63  }
0xbf: {  	v3 =	vor.u32 v3, v4  }
0xc0: {  	v4 =	vperm.xlane v3, v0;
	_ =	sdelay $0x1  }
0xc1: {  	v4 =	vadd.s32 v1, v4;
	_ =	sdelay $0x4  }
0xc2: {  	[tilespmem:s20], [sflag:$0x2] =	stream.indirect_vreg.gather [hbm4b:s2+s3], $0x80, v4, vm0, $0xb8;
	[tilespmem:$0x12000] =	vst v63  }
0xc3: {  	s0 =	simm.s32 $0x6800;
	v3 =	vperm.xlane v3, v2  }
0xc4: {  	[tilespmem:s0], [sflag:$0x2] =	stream.indirect_vreg.gather [hbm4b:s5+s3], $0x80, v4, vm0, $0xb8;
	[tilespmem:$0x12000] =	vst v63  }
0xc5: {  	v3 =	vadd.s32 v1, v3;
	s0 =	simm.s32 $0x7000  }
0xc6: {  	[tilespmem:s0], [sflag:$0x2] =	stream.indirect_vreg.gather [hbm4b:s6+s3], $0x80, v4, vm0, $0xb8;
	[tilespmem:$0x12000] =	vst v63  }
0xc7: {  	s0 =	simm.s32 $0x7800  }
0xc8: {  	[tilespmem:s0], [sflag:$0x2] =	stream.indirect_vreg.gather [hbm4b:s7+s3], $0x80, v4, vm0, $0xb8;
	[tilespmem:$0x12000] =	vst v63  }
0xc9: {  	s0 =	simm.s32 $0x8000  }
0xca: {  	[tilespmem:s0], [sflag:$0x2] =	stream.indirect_vreg.gather [hbm4b:s2+s3], $0x80, v3, vm0, $0xb8;
	[tilespmem:$0x12000] =	vst v63  }
0xcb: {  	s0 =	simm.s32 $0x8800  }
0xcc: {  	[tilespmem:s0], [sflag:$0x2] =	stream.indirect_vreg.gather [hbm4b:s5+s3], $0x80, v3, vm0, $0xb8;
	[tilespmem:$0x12000] =	vst v63  }
.Ltmp5:
0xcd: {  	_ = 	snop;
	(pc) =	sbr.rel .LBB2_5-.Ltmp5, $4  }
0xce: {  	s0 =	simm.s32 $0x9000  }
0xcf: {  	[tilespmem:s0], [sflag:$0x2] =	stream.indirect_vreg.gather [hbm4b:s6+s3], $0x80, v3, vm0, $0xb8;
	[tilespmem:$0x12000] =	vst v63  }
0xd0: {  	s0 =	simm.s32 $0x9800  }
0xd1: {  	[tilespmem:s0], [sflag:$0x2] =	stream.indirect_vreg.gather [hbm4b:s7+s3], $0x80, v3, vm0, $0xb8;
	[tilespmem:$0x12000] =	vst v63  }
.LBB2_7:
0xd2: {  	_ =	sfence.sel $0x180000  }
0xd3: {  	[bflag:$0x0] =	sbarrier.arrive $0xFFFF  }
0xd4: {  	_ =	strace $0x90000047  }
0xd5: {  	s0 =	stileid.u32;
	[bflag:$0x2] =	sbarrier.arrive $0xFFFF  }
0xd6: {  	p0 =	sne.s32 s0, $0x0;
	s0 =	rddreg [dreg:$0x3]  }
0xd7: {  	s0 =	sadd.s32 @!p0 $0x100000, s0  }
0xd8: {  	[sflag:s0] =	ssyncadd.tile.s32 @!p0 $0x1;
	_ =	shalt  }
.Lfunc_end2:
_tile_overlayer_lowered:
.L_overlay_start_2:
0xd9: {  	(tag) =	ssettag $0x2  }
0xda: {  	s0 =	rddreg [dreg:$0x0];
	s2 =	stileid.u32  }
0xdb: {  	s1 =	rddreg [dreg:$0x1];
	p0 =	sne.s32 s2, $0x0  }
0xdc: {  	s3 =	rddreg [dreg:$0x2];
	[bflag:$0x3] =	sbarrier.arrive $0xFFFF;
	s2 =	simm.s32 @!p0 $0x1C09  }
0xdd: {  	[timem:s3], [sflag:s2] =	dma.local @!p0 [hbm:s0], s1  }
0xde: {  	s0 =	simm.s32 @!p0 $0x9  }
0xdf: {  	_ =	swait.ge @!p0 [sflag:s0], s1  }
0xe0: {  	s1 =	ssub.s32 @!p0 $0x0, s1;
	[sflag:s0] =	ssyncset.done @!p0 $0x0  }
0xe1: {  	[sflag:s0] =	ssyncadd.s32 @!p0 s1  }
0xe2: {  	[bflag:$0x3] =	sbarrier.arrive $0xFFFF  }
0xe3: {  	_ =	shalt  }

</sc_bundles>
